<compile_context>
chip_gen: v7x
topology: tpu7x:2x2x1
jax: 0.10.2.dev20260603
libtpu: 0.0.44.dev20260713+nightly
codegen_flags: <defaults>
</compile_context>

<pallas_src>
import functools

import jax
import jax.numpy as jnp
from jax import lax
from jax.experimental import pallas as pl
from jax.experimental.pallas import tpu as pltpu
from jax.experimental.pallas import tpu_sc as plsc

V = 784
D = 2048
E = 8
EP = 128
RH = 64
NC = 10
S = 2048
NB = 4
N = NB * S
CH = 16
CL = 49
LP = 1024


def _router_body(w1_ref, b1_ref, w2_ref, b2_ref, out_ref, wt_ref):
    t = lax.broadcasted_iota(jnp.int32, (V, 1), 0).astype(jnp.float32) / 783.0
    h = t * w1_ref[...] + b1_ref[...]
    h = h * jax.nn.sigmoid(h)
    rlog = jnp.dot(h, w2_ref[...],
                   preferred_element_type=jnp.float32) + b2_ref[...]
    mx = jnp.max(rlog, axis=1, keepdims=True)
    eg = jnp.exp(rlog - mx)
    gates = eg / jnp.sum(eg, axis=1, keepdims=True)
    idx = lax.broadcasted_iota(jnp.int32, (V, EP), 1)
    m1 = jnp.max(gates, axis=1, keepdims=True)
    i1 = jnp.min(jnp.where(gates == m1, idx, EP), axis=1, keepdims=True)
    g2 = jnp.where(idx == i1, -1.0, gates)
    m2 = jnp.max(g2, axis=1, keepdims=True)
    i2 = jnp.min(jnp.where(g2 == m2, idx, EP), axis=1, keepdims=True)
    masks = jnp.logical_or(idx == i1, idx == i2).astype(jnp.float32)
    weights = gates * masks / (m1 + m2 + 1e-9)
    out_ref[...] = jnp.concatenate(
        [weights[:, :E], masks[:, :E],
         jnp.zeros((V, EP - 2 * E), jnp.float32)], axis=1)
    wt_ref[...] = jnp.transpose(weights[:, :E], (1, 0))


def _router_table(router_w1, router_b1, router_w2, router_b2):
    w1 = router_w1.reshape(1, RH)
    b1 = router_b1.reshape(1, RH)
    w2 = jnp.zeros((RH, EP), jnp.float32).at[:, :E].set(router_w2)
    b2 = jnp.full((1, EP), -1e30, jnp.float32).at[0, :E].set(router_b2)
    return pl.pallas_call(
        _router_body,
        out_shape=[jax.ShapeDtypeStruct((V, EP), jnp.float32),
                   jax.ShapeDtypeStruct((E, V), jnp.float32)],
    )(w1, b1, w2, b2)


def _dense_body(xt_ref, wt_ref, ew_ref, eb_ref, cw_ref, cb_ref, out_ref,
                st_ref):
    a = ew_ref[...] * (1.0 / 783.0)
    c2b = (2.0 * jnp.cos(CH * a))[:, None, :]
    c2a = 2.0 * jnp.cos(a)
    rows = [jnp.sin(eb_ref[...]), jnp.sin(a + eb_ref[...])]
    for _ in range(2, 2 * CH):
        rows.append(c2a * rows[-1] - rows[-2])
    s0 = jnp.stack(rows[:CH], axis=1)
    s1 = jnp.stack(rows[CH:], axis=1)

    st_ref[0:1] = s0.astype(jnp.bfloat16).reshape(1, E * CH, D)
    st_ref[1:2] = s1.astype(jnp.bfloat16).reshape(1, E * CH, D)

    def body(j, carry):
        sp, sc = carry
        cur = c2b * sc - sp
        st_ref[pl.ds(j, 1)] = cur.astype(jnp.bfloat16).reshape(1, E * CH, D)
        return (sc, cur)

    lax.fori_loop(2, CL, body, (s0, s1))

    lane = lax.broadcasted_iota(jnp.int32, (1, LP), 1)
    ones_row = jnp.ones((1, S), jnp.bfloat16)
    rows = []
    for b in range(NB):
        oh = (xt_ref[:, b:b + 1] == lane).astype(jnp.bfloat16)
        rows.append(jnp.dot(ones_row, oh,
                            preferred_element_type=jnp.float32))
    cnt = jnp.concatenate(rows, axis=0)[:, :V]
    pooled = jnp.zeros((NB, D), jnp.float32)
    for e in range(E):
        lhs = (cnt * wt_ref[e:e + 1, :]).astype(jnp.bfloat16)
        se = st_ref[:, e * CH:(e + 1) * CH, :].reshape(V, D)
        pooled = pooled + jnp.dot(lhs, se,
                                  preferred_element_type=jnp.float32)
    out_ref[...] = jnp.dot(pooled * (1.0 / S), cw_ref[...],
                           preferred_element_type=jnp.float32) + cb_ref[...]


def _dense_logits(xt, wt, expert_w, expert_b, cls_w, cls_b):
    cw = jnp.zeros((D, EP), jnp.float32).at[:, :NC].set(cls_w)
    cb = jnp.zeros((1, EP), jnp.float32).at[0, :NC].set(cls_b)
    return pl.pallas_call(
        _dense_body,
        out_shape=jax.ShapeDtypeStruct((NB, EP), jnp.float32),
        scratch_shapes=[pltpu.VMEM((CL, E * CH, D), jnp.bfloat16)],
    )(xt, wt, expert_w, expert_b, cw, cb)


def _gather_tokens(wm_table, idx2d):
    info = plsc.get_sparse_core_info()
    nw = info.num_cores * info.num_subcores
    b_per_w = N // nw
    ch = 128
    nch = b_per_w // ch
    mesh = plsc.VectorSubcoreMesh(core_axis_name="c", subcore_axis_name="s")

    @functools.partial(
        pl.kernel, mesh=mesh,
        out_type=jax.ShapeDtypeStruct((N, EP), jnp.float32),
        scratch_types=[pltpu.VMEM((nch, ch), jnp.int32),
                       pltpu.VMEM((b_per_w, EP), jnp.float32),
                       pltpu.SemaphoreType.DMA],
    )
    def k(table_hbm, idx_hbm, out_hbm, idx_v, rows_v, sem):
        s = lax.axis_index("s")
        c = lax.axis_index("c")
        wid = s * info.num_cores + c
        pltpu.sync_copy(idx_hbm.at[pl.ds(wid * nch, nch)], idx_v)
        descs = [pltpu.async_copy(table_hbm.at[idx_v.at[j]],
                                  rows_v.at[pl.ds(j * ch, ch)], sem)
                 for j in range(nch)]
        for d in descs:
            d.wait()
        pltpu.sync_copy(rows_v, out_hbm.at[pl.ds(wid * b_per_w, b_per_w)])

    return k(wm_table, idx2d)


def kernel(x, expert_w, expert_b, router_w1, router_b1, router_w2,
           router_b2, cls_w, cls_b):
    xi = x.astype(jnp.int32)
    tab, wt = _router_table(router_w1, router_b1, router_w2, router_b2)
    wm = _gather_tokens(tab, xi.reshape(-1, 128))
    logits = _dense_logits(xi.T, wt, expert_w, expert_b, cls_w, cls_b)
    return logits[:, :NC], wm[:, :E], wm[:, E:2 * E]

# --- scband reference (transcript-rebuilt; emitter-appended) ---
"""Pipeline reference for scband-simple-kanmoteclassifier-80771154968588 (READ-ONLY COPY).

The authoritative reference and input builder live on the scoring server;
editing this copy changes nothing except your own understanding.
"""

import jax, jax.numpy as jnp
import numpy as np

D_TIME = 2048
N_EXPERTS = 8
TOP_K = 2
ROUTER_HIDDEN = 64
NUM_CLASSES = 10


def setup_inputs(seed: int = 0) -> dict:
    key = jax.random.key(seed)
    ks = jax.random.split(key, 10)
    B, S = 4, 2048
    x = jax.random.randint(ks[0], (B, S), 0, 784)
    expert_w = jax.random.normal(ks[1], (N_EXPERTS, D_TIME), dtype=jnp.float32)
    expert_b = jax.random.normal(ks[2], (N_EXPERTS, D_TIME), dtype=jnp.float32) * 0.1
    router_w1 = jax.random.normal(ks[3], (1, ROUTER_HIDDEN), dtype=jnp.float32) * 0.5
    router_b1 = jnp.zeros((ROUTER_HIDDEN,), dtype=jnp.float32)
    router_w2 = jax.random.normal(ks[4], (ROUTER_HIDDEN, N_EXPERTS), dtype=jnp.float32) * 0.1
    router_b2 = jnp.zeros((N_EXPERTS,), dtype=jnp.float32)
    cls_w = jax.random.normal(ks[5], (D_TIME, NUM_CLASSES), dtype=jnp.float32) * 0.02
    cls_b = jnp.zeros((NUM_CLASSES,), dtype=jnp.float32)
    return {"x": x, "expert_w": expert_w, "expert_b": expert_b,
            "router_w1": router_w1, "router_b1": router_b1,
            "router_w2": router_w2, "router_b2": router_b2,
            "cls_w": cls_w, "cls_b": cls_b}


def _k_mote(t, expert_w, expert_b, router_w1, router_b1, router_w2, router_b2):
    # t: [N, 1] normalized timestamps
    N = t.shape[0]
    t1 = t[:, 0]
    # time experts: learnable periodic encoders, each maps scalar t -> D_time embedding
    emb = jnp.sin(t1[:, None, None] * expert_w[None, :, :] + expert_b[None, :, :])  # [N, E, D]
    # KAN-style router (base branch: silu MLP) producing expert logits
    h = jax.nn.silu(t @ router_w1 + router_b1)          # [N, RH]
    rlog = h @ router_w2 + router_b2                    # [N, E]
    gates = jax.nn.softmax(rlog, axis=-1)               # [N, E]
    topv, topi = jax.lax.top_k(gates, TOP_K)
    masks = jnp.zeros_like(gates).at[jnp.arange(N)[:, None], topi].set(1.0)  # [N, E]
    weights = gates * masks
    weights = weights / (jnp.sum(weights, axis=-1, keepdims=True) + 1e-9)
    embeddings = jnp.einsum('ne,ned->nd', weights, emb)  # [N, D]
    return embeddings, weights, masks


def reference(x, expert_w, expert_b, router_w1, router_b1, router_w2, router_b2, cls_w, cls_b):
    B, S = x.shape
    timestamps = (x.astype(jnp.float32) / 783.0).reshape(-1, 1)  # [B*S, 1]
    embeddings, weights, masks = _k_mote(timestamps, expert_w, expert_b,
                                         router_w1, router_b1, router_w2, router_b2)
    embeddings = embeddings.reshape(B, S, -1)
    pooled = jnp.mean(embeddings, axis=1)                # [B, D]
    logits = pooled @ cls_w + cls_b                      # [B, 10]
    return (logits, weights, masks)

if __name__ == "__main__":
    import jax
    _d = setup_inputs()
    print(jax.jit(kernel)(*tuple(_d.values())))

</pallas_src>

<mosaic_0001>
#map = affine_map<(d0, d1) -> (0, 0)>
module attributes {stable_mosaic.version = 14 : i64} {
  func.func @k(%arg0: i32, %arg1: i32, %arg2: memref<784x128xf32, #tpu.memory_space<hbm>>, %arg3: memref<64x128xi32, #tpu.memory_space<hbm>>, %arg4: memref<8192x128xf32, #tpu.memory_space<hbm>>, %arg5: memref<2x128xi32, #tpu.memory_space<vmem>>, %arg6: memref<256x128xf32, #tpu.memory_space<vmem>>, %arg7: memref<!tpu.dma_semaphore, #tpu.memory_space<semaphore_mem>>) attributes {dimension_semantics = [#tpu.dimension_semantics<core_parallel>, #tpu.dimension_semantics<subcore_parallel>], iteration_bounds = array<i64: 2, 16>, scalar_prefetch = 0 : i64, scratch_operands = 3 : i64, tpu.core_type = #tpu.core_type<sc_vector_subcore>, window_params = [{transform_indices = #map}, {transform_indices = #map}, {transform_indices = #map}]} {
    %mul3A = arith.constant 2 : i32
    %mul3A_0 = arith.muli %arg1, %mul3A : i32
    %add3A = arith.addi %mul3A_0, %arg0 : i32
    %mul3A_1 = arith.constant 2 : i32
    %mul3A_2 = arith.muli %add3A, %mul3A_1 : i32
    "tpu.region"() ({
      %run_scoped3A = tpu.sem_alloc : memref<!tpu.dma_semaphore, #tpu.memory_space<semaphore_mem>>
      %dma_start3A_43 = arith.constant 0 : i32
      %dma_start3A_44 = tpu.memref_slice %arg3[%mul3A_2, %dma_start3A_43] : memref<64x128xi32, #tpu.memory_space<hbm>> -> memref<2x128xi32, #tpu.memory_space<hbm>>
      %dma_start3A_45 = arith.constant 0 : i32
      %dma_start3A_46 = tpu.memref_slice %arg3[%mul3A_2, %dma_start3A_45] : memref<64x128xi32, #tpu.memory_space<hbm>> -> memref<2x128xi32, #tpu.memory_space<hbm>>
      tpu.enqueue_dma source(%dma_start3A_46 : memref<2x128xi32, #tpu.memory_space<hbm>>) target(%arg5 : memref<2x128xi32, #tpu.memory_space<vmem>>) target_semaphore(%run_scoped3A : memref<!tpu.dma_semaphore, #tpu.memory_space<semaphore_mem>>)
      %dma_wait3A_47 = arith.constant 0 : i32
      %dma_wait3A_48 = tpu.memref_slice %arg3[%mul3A_2, %dma_wait3A_47] : memref<64x128xi32, #tpu.memory_space<hbm>> -> memref<2x128xi32, #tpu.memory_space<hbm>>
      %dma_wait3A_49 = arith.constant 0 : i32
      %dma_wait3A_50 = tpu.memref_slice %arg3[%mul3A_2, %dma_wait3A_49] : memref<64x128xi32, #tpu.memory_space<hbm>> -> memref<2x128xi32, #tpu.memory_space<hbm>>
      tpu.wait_dma2 semaphore(%run_scoped3A : memref<!tpu.dma_semaphore, #tpu.memory_space<semaphore_mem>>) src(%dma_wait3A_50 : memref<2x128xi32, #tpu.memory_space<hbm>>) dst(%arg5 : memref<2x128xi32, #tpu.memory_space<vmem>>)
      tpu.yield
    }) : () -> ()
    %dma_start3A = arith.constant 0 : i32
    %dma_start3A_3 = arith.constant 0 : i32
    %dma_start3A_4 = arith.constant 0 : i32
    %dma_start3A_5 = tpu.memref_slice %arg6[%dma_start3A_3, %dma_start3A_4] : memref<256x128xf32, #tpu.memory_space<vmem>> -> memref<128x128xf32, #tpu.memory_space<vmem>>
    %dma_start3A_6 = arith.constant 0 : i32
    %dma_start3A_7 = tpu.memref_slice %arg5[%dma_start3A, %dma_start3A_6] : memref<2x128xi32, #tpu.memory_space<vmem>> -> memref<1x128xi32, #tpu.memory_space<vmem>>
    %dma_start3A_8 = tpu.memref_squeeze %dma_start3A_7 : memref<1x128xi32, #tpu.memory_space<vmem>> -> memref<128xi32, #tpu.memory_space<vmem>>
    %dma_start3A_9 = arith.constant 0 : i32
    %dma_start3A_10 = arith.constant 0 : i32
    %dma_start3A_11 = tpu.memref_slice %arg2[%dma_start3A_9, %dma_start3A_10] : memref<784x128xf32, #tpu.memory_space<hbm>> -> memref<784x128xf32, #tpu.memory_space<hbm>>
    tpu.enqueue_indirect_dma source(%dma_start3A_11 : memref<784x128xf32, #tpu.memory_space<hbm>>) target(%dma_start3A_5 : memref<128x128xf32, #tpu.memory_space<vmem>>) offsets(%dma_start3A_8 : memref<128xi32, #tpu.memory_space<vmem>>) semaphore(%arg7 : memref<!tpu.dma_semaphore, #tpu.memory_space<semaphore_mem>>)
    %dma_start3A_12 = arith.constant 1 : i32
    %dma_start3A_13 = arith.constant 128 : i32
    %dma_start3A_14 = arith.constant 0 : i32
    %dma_start3A_15 = tpu.memref_slice %arg6[%dma_start3A_13, %dma_start3A_14] : memref<256x128xf32, #tpu.memory_space<vmem>> -> memref<128x128xf32, #tpu.memory_space<vmem>>
    %dma_start3A_16 = arith.constant 0 : i32
    %dma_start3A_17 = tpu.memref_slice %arg5[%dma_start3A_12, %dma_start3A_16] : memref<2x128xi32, #tpu.memory_space<vmem>> -> memref<1x128xi32, #tpu.memory_space<vmem>>
    %dma_start3A_18 = tpu.memref_squeeze %dma_start3A_17 : memref<1x128xi32, #tpu.memory_space<vmem>> -> memref<128xi32, #tpu.memory_space<vmem>>
    %dma_start3A_19 = arith.constant 0 : i32
    %dma_start3A_20 = arith.constant 0 : i32
    %dma_start3A_21 = tpu.memref_slice %arg2[%dma_start3A_19, %dma_start3A_20] : memref<784x128xf32, #tpu.memory_space<hbm>> -> memref<784x128xf32, #tpu.memory_space<hbm>>
    tpu.enqueue_indirect_dma source(%dma_start3A_21 : memref<784x128xf32, #tpu.memory_space<hbm>>) target(%dma_start3A_15 : memref<128x128xf32, #tpu.memory_space<vmem>>) offsets(%dma_start3A_18 : memref<128xi32, #tpu.memory_space<vmem>>) semaphore(%arg7 : memref<!tpu.dma_semaphore, #tpu.memory_space<semaphore_mem>>)
    %dma_wait3A = arith.constant 0 : i32
    %dma_wait3A_22 = arith.constant 0 : i32
    %dma_wait3A_23 = arith.constant 0 : i32
    %dma_wait3A_24 = tpu.memref_slice %arg6[%dma_wait3A_22, %dma_wait3A_23] : memref<256x128xf32, #tpu.memory_space<vmem>> -> memref<128x128xf32, #tpu.memory_space<vmem>>
    %dma_wait3A_25 = arith.constant 0 : i32
    %dma_wait3A_26 = tpu.memref_slice %arg5[%dma_wait3A, %dma_wait3A_25] : memref<2x128xi32, #tpu.memory_space<vmem>> -> memref<1x128xi32, #tpu.memory_space<vmem>>
    %dma_wait3A_27 = tpu.memref_squeeze %dma_wait3A_26 : memref<1x128xi32, #tpu.memory_space<vmem>> -> memref<128xi32, #tpu.memory_space<vmem>>
    %dma_wait3A_28 = arith.constant 0 : i32
    %dma_wait3A_29 = arith.constant 0 : i32
    %dma_wait3A_30 = tpu.memref_slice %arg2[%dma_wait3A_28, %dma_wait3A_29] : memref<784x128xf32, #tpu.memory_space<hbm>> -> memref<784x128xf32, #tpu.memory_space<hbm>>
    tpu.wait_indirect_dma semaphore(%arg7 : memref<!tpu.dma_semaphore, #tpu.memory_space<semaphore_mem>>) src(%dma_wait3A_30 : memref<784x128xf32, #tpu.memory_space<hbm>>) dst(%dma_wait3A_24 : memref<128x128xf32, #tpu.memory_space<vmem>>)
    %dma_wait3A_31 = arith.constant 1 : i32
    %dma_wait3A_32 = arith.constant 128 : i32
    %dma_wait3A_33 = arith.constant 0 : i32
    %dma_wait3A_34 = tpu.memref_slice %arg6[%dma_wait3A_32, %dma_wait3A_33] : memref<256x128xf32, #tpu.memory_space<vmem>> -> memref<128x128xf32, #tpu.memory_space<vmem>>
    %dma_wait3A_35 = arith.constant 0 : i32
    %dma_wait3A_36 = tpu.memref_slice %arg5[%dma_wait3A_31, %dma_wait3A_35] : memref<2x128xi32, #tpu.memory_space<vmem>> -> memref<1x128xi32, #tpu.memory_space<vmem>>
    %dma_wait3A_37 = tpu.memref_squeeze %dma_wait3A_36 : memref<1x128xi32, #tpu.memory_space<vmem>> -> memref<128xi32, #tpu.memory_space<vmem>>
    %dma_wait3A_38 = arith.constant 0 : i32
    %dma_wait3A_39 = arith.constant 0 : i32
    %dma_wait3A_40 = tpu.memref_slice %arg2[%dma_wait3A_38, %dma_wait3A_39] : memref<784x128xf32, #tpu.memory_space<hbm>> -> memref<784x128xf32, #tpu.memory_space<hbm>>
    tpu.wait_indirect_dma semaphore(%arg7 : memref<!tpu.dma_semaphore, #tpu.memory_space<semaphore_mem>>) src(%dma_wait3A_40 : memref<784x128xf32, #tpu.memory_space<hbm>>) dst(%dma_wait3A_34 : memref<128x128xf32, #tpu.memory_space<vmem>>)
    %mul3A_41 = arith.constant 256 : i32
    %mul3A_42 = arith.muli %add3A, %mul3A_41 : i32
    "tpu.region"() ({
      %run_scoped3A = tpu.sem_alloc : memref<!tpu.dma_semaphore, #tpu.memory_space<semaphore_mem>>
      %dma_start3A_43 = arith.constant 0 : i32
      %dma_start3A_44 = tpu.memref_slice %arg4[%mul3A_42, %dma_start3A_43] : memref<8192x128xf32, #tpu.memory_space<hbm>> -> memref<256x128xf32, #tpu.memory_space<hbm>>
      %dma_start3A_45 = arith.constant 0 : i32
      %dma_start3A_46 = tpu.memref_slice %arg4[%mul3A_42, %dma_start3A_45] : memref<8192x128xf32, #tpu.memory_space<hbm>> -> memref<256x128xf32, #tpu.memory_space<hbm>>
      tpu.enqueue_dma source(%arg6 : memref<256x128xf32, #tpu.memory_space<vmem>>) target(%dma_start3A_46 : memref<256x128xf32, #tpu.memory_space<hbm>>) target_semaphore(%run_scoped3A : memref<!tpu.dma_semaphore, #tpu.memory_space<semaphore_mem>>)
      %dma_wait3A_47 = arith.constant 0 : i32
      %dma_wait3A_48 = tpu.memref_slice %arg4[%mul3A_42, %dma_wait3A_47] : memref<8192x128xf32, #tpu.memory_space<hbm>> -> memref<256x128xf32, #tpu.memory_space<hbm>>
      %dma_wait3A_49 = arith.constant 0 : i32
      %dma_wait3A_50 = tpu.memref_slice %arg4[%mul3A_42, %dma_wait3A_49] : memref<8192x128xf32, #tpu.memory_space<hbm>> -> memref<256x128xf32, #tpu.memory_space<hbm>>
      tpu.wait_dma2 semaphore(%run_scoped3A : memref<!tpu.dma_semaphore, #tpu.memory_space<semaphore_mem>>) src(%arg6 : memref<256x128xf32, #tpu.memory_space<vmem>>) dst(%dma_wait3A_50 : memref<256x128xf32, #tpu.memory_space<hbm>>)
      tpu.yield
    }) : () -> ()
    return
  }
}

module attributes {stable_mosaic.version = 14 : i64} {
  func.func @_router_body(%arg0: memref<1x64xf32, #tpu.memory_space<vmem>>, %arg1: memref<1x64xf32, #tpu.memory_space<vmem>>, %arg2: memref<64x128xf32, #tpu.memory_space<vmem>>, %arg3: memref<1x128xf32, #tpu.memory_space<vmem>>, %arg4: memref<784x128xf32, #tpu.memory_space<vmem>>, %arg5: memref<8x784xf32, #tpu.memory_space<vmem>>) attributes {dimension_semantics = [], scalar_prefetch = 0 : i64, scratch_operands = 0 : i64, tpu.core_type = #tpu.core_type<tc>} {
    %iota3A = tpu.iota {dimensions = array<i32: 0>} : vector<784x1xi32>
    %convert_element_type3A = arith.sitofp %iota3A : vector<784x1xi32> to vector<784x1xf32>
    %div3A = arith.constant 7.830000e+02 : f32
    %div3A_0 = vector.broadcast %div3A : f32 to vector<784x1xf32>
    %div3A_1 = arith.divf %convert_element_type3A, %div3A_0 : vector<784x1xf32>
    %get3A = arith.constant 0 : index
    %get3A_2 = arith.constant 0 : index
    %get3A_3 = vector.load %arg0[%get3A, %get3A_2] : memref<1x64xf32, #tpu.memory_space<vmem>>, vector<1x64xf32>
    %mul3A = vector.broadcast %div3A_1 : vector<784x1xf32> to vector<784x64xf32>
    %mul3A_4 = vector.broadcast %get3A_3 : vector<1x64xf32> to vector<784x64xf32>
    %mul3A_5 = arith.mulf %mul3A, %mul3A_4 : vector<784x64xf32>
    %get3A_6 = arith.constant 0 : index
    %get3A_7 = arith.constant 0 : index
    %get3A_8 = vector.load %arg1[%get3A_6, %get3A_7] : memref<1x64xf32, #tpu.memory_space<vmem>>, vector<1x64xf32>
    %add3A = vector.broadcast %get3A_8 : vector<1x64xf32> to vector<784x64xf32>
    %add3A_9 = arith.addf %mul3A_5, %add3A : vector<784x64xf32>
    %logistic3A = arith.negf %add3A_9 : vector<784x64xf32>
    %logistic3A_10 = math.exp %logistic3A : vector<784x64xf32>
    %logistic3A_11 = arith.constant 1.000000e+00 : f32
    %logistic3A_12 = vector.broadcast %logistic3A_11 : f32 to vector<784x64xf32>
    %logistic3A_13 = arith.addf %logistic3A_12, %logistic3A_10 : vector<784x64xf32>
    %logistic3A_14 = arith.divf %logistic3A_12, %logistic3A_13 : vector<784x64xf32>
    %mul3A_15 = arith.mulf %add3A_9, %logistic3A_14 : vector<784x64xf32>
    %get3A_16 = arith.constant 0 : index
    %get3A_17 = arith.constant 0 : index
    %get3A_18 = vector.load %arg2[%get3A_16, %get3A_17] : memref<64x128xf32, #tpu.memory_space<vmem>>, vector<64x128xf32>
    %dot_general3A = arith.constant dense<0.000000e+00> : vector<784x128xf32>
    %dot_general3A_19 = tpu.matmul %mul3A_15, %get3A_18, %dot_general3A {dimension_numbers = #tpu.dot_dimension_numbers<[1], [0], [0], [1], [0, 0, 1, 1], [], []>, transpose_lhs_hint = false} : vector<784x64xf32>, vector<64x128xf32>, vector<784x128xf32> -> vector<784x128xf32>
    %get3A_20 = arith.constant 0 : index
    %get3A_21 = arith.constant 0 : index
    %get3A_22 = vector.load %arg3[%get3A_20, %get3A_21] : memref<1x128xf32, #tpu.memory_space<vmem>>, vector<1x128xf32>
    %add3A_23 = vector.broadcast %get3A_22 : vector<1x128xf32> to vector<784x128xf32>
    %add3A_24 = arith.addf %dot_general3A_19, %add3A_23 : vector<784x128xf32>
    %reduce_max3A = arith.constant dense<0xFF800000> : vector<784xf32>
    %reduce_max3A_25 = vector.multi_reduction <maximumf>, %add3A_24, %reduce_max3A [1] : vector<784x128xf32> to vector<784xf32>
    %broadcast_in_dim3A = vector.shape_cast %reduce_max3A_25 : vector<784xf32> to vector<784x1xf32>
    %sub3A = vector.broadcast %broadcast_in_dim3A : vector<784x1xf32> to vector<784x128xf32>
    %sub3A_26 = arith.subf %add3A_24, %sub3A : vector<784x128xf32>
    %exp3A = math.exp %sub3A_26 : vector<784x128xf32>
    %reduce_sum3A = arith.constant dense<0.000000e+00> : vector<784xf32>
    %reduce_sum3A_27 = vector.multi_reduction <add>, %exp3A, %reduce_sum3A [1] : vector<784x128xf32> to vector<784xf32>
    %broadcast_in_dim3A_28 = vector.shape_cast %reduce_sum3A_27 : vector<784xf32> to vector<784x1xf32>
    %div3A_29 = vector.broadcast %broadcast_in_dim3A_28 : vector<784x1xf32> to vector<784x128xf32>
    %div3A_30 = arith.divf %exp3A, %div3A_29 : vector<784x128xf32>
    %iota3A_31 = tpu.iota {dimensions = array<i32: 1>} : vector<784x128xi32>
    %reduce_max3A_32 = arith.constant dense<0xFF800000> : vector<784xf32>
    %reduce_max3A_33 = vector.multi_reduction <maximumf>, %div3A_30, %reduce_max3A_32 [1] : vector<784x128xf32> to vector<784xf32>
    %broadcast_in_dim3A_34 = vector.shape_cast %reduce_max3A_33 : vector<784xf32> to vector<784x1xf32>
    %eq3A = vector.broadcast %broadcast_in_dim3A_34 : vector<784x1xf32> to vector<784x128xf32>
    %eq3A_35 = arith.cmpf oeq, %div3A_30, %eq3A : vector<784x128xf32>
    %jit3A = arith.constant 128 : i32
    %broadcast_in_dim3A_36 = vector.broadcast %jit3A : i32 to vector<784x128xi32>
    %select_n3A = arith.select %eq3A_35, %iota3A_31, %broadcast_in_dim3A_36 : vector<784x128xi1>, vector<784x128xi32>
    %reduce_min3A = arith.constant dense<2147483647> : vector<784xi32>
    %reduce_min3A_37 = vector.multi_reduction <minsi>, %select_n3A, %reduce_min3A [1] : vector<784x128xi32> to vector<784xi32>
    %broadcast_in_dim3A_38 = vector.shape_cast %reduce_min3A_37 : vector<784xi32> to vector<784x1xi32>
    %eq3A_39 = vector.broadcast %broadcast_in_dim3A_38 : vector<784x1xi32> to vector<784x128xi32>
    %eq3A_40 = arith.cmpi eq, %iota3A_31, %eq3A_39 : vector<784x128xi32>
    %jit3A_41 = arith.constant -1.000000e+00 : f32
    %broadcast_in_dim3A_42 = vector.broadcast %jit3A_41 : f32 to vector<784x128xf32>
    %select_n3A_43 = arith.select %eq3A_40, %broadcast_in_dim3A_42, %div3A_30 : vector<784x128xi1>, vector<784x128xf32>
    %reduce_max3A_44 = arith.constant dense<0xFF800000> : vector<784xf32>
    %reduce_max3A_45 = vector.multi_reduction <maximumf>, %select_n3A_43, %reduce_max3A_44 [1] : vector<784x128xf32> to vector<784xf32>
    %broadcast_in_dim3A_46 = vector.shape_cast %reduce_max3A_45 : vector<784xf32> to vector<784x1xf32>
    %eq3A_47 = vector.broadcast %broadcast_in_dim3A_46 : vector<784x1xf32> to vector<784x128xf32>
    %eq3A_48 = arith.cmpf oeq, %select_n3A_43, %eq3A_47 : vector<784x128xf32>
    %jit3A_49 = arith.constant 128 : i32
    %broadcast_in_dim3A_50 = vector.broadcast %jit3A_49 : i32 to vector<784x128xi32>
    %select_n3A_51 = arith.select %eq3A_48, %iota3A_31, %broadcast_in_dim3A_50 : vector<784x128xi1>, vector<784x128xi32>
    %reduce_min3A_52 = arith.constant dense<2147483647> : vector<784xi32>
    %reduce_min3A_53 = vector.multi_reduction <minsi>, %select_n3A_51, %reduce_min3A_52 [1] : vector<784x128xi32> to vector<784xi32>
    %broadcast_in_dim3A_54 = vector.shape_cast %reduce_min3A_53 : vector<784xi32> to vector<784x1xi32>
    %eq3A_55 = vector.broadcast %broadcast_in_dim3A_38 : vector<784x1xi32> to vector<784x128xi32>
    %eq3A_56 = arith.cmpi eq, %iota3A_31, %eq3A_55 : vector<784x128xi32>
    %eq3A_57 = vector.broadcast %broadcast_in_dim3A_54 : vector<784x1xi32> to vector<784x128xi32>
    %eq3A_58 = arith.cmpi eq, %iota3A_31, %eq3A_57 : vector<784x128xi32>
    %or3A = arith.ori %eq3A_56, %eq3A_58 : vector<784x128xi1>
    %convert_element_type3A_59 = arith.extui %or3A : vector<784x128xi1> to vector<784x128xi32>
    %convert_element_type3A_60 = arith.sitofp %convert_element_type3A_59 : vector<784x128xi32> to vector<784x128xf32>
    %mul3A_61 = arith.mulf %div3A_30, %convert_element_type3A_60 : vector<784x128xf32>
    %add3A_62 = arith.addf %broadcast_in_dim3A_34, %broadcast_in_dim3A_46 : vector<784x1xf32>
    %add3A_63 = arith.constant 9.99999971E-10 : f32
    %add3A_64 = vector.broadcast %add3A_63 : f32 to vector<784x1xf32>
    %add3A_65 = arith.addf %add3A_62, %add3A_64 : vector<784x1xf32>
    %div3A_66 = vector.broadcast %add3A_65 : vector<784x1xf32> to vector<784x128xf32>
    %div3A_67 = arith.divf %mul3A_61, %div3A_66 : vector<784x128xf32>
    %slice3A = vector.extract_strided_slice %div3A_67 {offsets = [0, 0], sizes = [784, 8], strides = [1, 1]} : vector<784x128xf32> to vector<784x8xf32>
    %slice3A_68 = vector.extract_strided_slice %convert_element_type3A_60 {offsets = [0, 0], sizes = [784, 8], strides = [1, 1]} : vector<784x128xf32> to vector<784x8xf32>
    %broadcast_in_dim3A_69 = arith.constant 0.000000e+00 : f32
    %broadcast_in_dim3A_70 = vector.broadcast %broadcast_in_dim3A_69 : f32 to vector<784x112xf32>
    %concatenate3A = tpu.concatenate %slice3A, %slice3A_68, %broadcast_in_dim3A_70 in 1 : vector<784x8xf32>, vector<784x8xf32>, vector<784x112xf32> -> vector<784x128xf32>
    %swap3A = arith.constant 0 : index
    %swap3A_71 = arith.constant 0 : index
    %swap3A_72 = vector.load %arg4[%swap3A, %swap3A_71] : memref<784x128xf32, #tpu.memory_space<vmem>>, vector<784x128xf32>
    tpu.vector_store %arg4[%swap3A, %swap3A_71], %concatenate3A {strides = array<i32>} : memref<784x128xf32, #tpu.memory_space<vmem>>, vector<784x128xf32>,
    %slice3A_73 = vector.extract_strided_slice %div3A_67 {offsets = [0, 0], sizes = [784, 8], strides = [1, 1]} : vector<784x128xf32> to vector<784x8xf32>
    %transpose3A = tpu.transpose %slice3A_73, [1, 0] : vector<784x8xf32> -> vector<8x784xf32>
    %swap3A_74 = arith.constant 0 : index
    %swap3A_75 = arith.constant 0 : index
    %swap3A_76 = vector.load %arg5[%swap3A_74, %swap3A_75] : memref<8x784xf32, #tpu.memory_space<vmem>>, vector<8x784xf32>
    tpu.vector_store %arg5[%swap3A_74, %swap3A_75], %transpose3A {strides = array<i32>} : memref<8x784xf32, #tpu.memory_space<vmem>>, vector<8x784xf32>,
    return
  }
}

module attributes {stable_mosaic.version = 14 : i64} {
  func.func @_dense_body(%arg0: memref<2048x4xi32, #tpu.memory_space<vmem>>, %arg1: memref<8x784xf32, #tpu.memory_space<vmem>>, %arg2: memref<8x2048xf32, #tpu.memory_space<vmem>>, %arg3: memref<8x2048xf32, #tpu.memory_space<vmem>>, %arg4: memref<2048x128xf32, #tpu.memory_space<vmem>>, %arg5: memref<1x128xf32, #tpu.memory_space<vmem>>, %arg6: memref<4x128xf32, #tpu.memory_space<vmem>>, %arg7: memref<49x128x2048xbf16, #tpu.memory_space<vmem>>) attributes {dimension_semantics = [], scalar_prefetch = 0 : i64, scratch_operands = 1 : i64, tpu.core_type = #tpu.core_type<tc>} {
    %get3A = arith.constant 0 : index
    %get3A_0 = arith.constant 0 : index
    %get3A_1 = vector.load %arg2[%get3A, %get3A_0] : memref<8x2048xf32, #tpu.memory_space<vmem>>, vector<8x2048xf32>
    %mul3A = arith.constant 0.00127713918 : f32
    %mul3A_2 = vector.broadcast %mul3A : f32 to vector<8x2048xf32>
    %mul3A_3 = arith.mulf %get3A_1, %mul3A_2 : vector<8x2048xf32>
    %mul3A_4 = arith.constant 1.600000e+01 : f32
    %mul3A_5 = vector.broadcast %mul3A_4 : f32 to vector<8x2048xf32>
    %mul3A_6 = arith.mulf %mul3A_5, %mul3A_3 : vector<8x2048xf32>
    %cos3A = math.cos %mul3A_6 : vector<8x2048xf32>
    %mul3A_7 = arith.constant 2.000000e+00 : f32
    %mul3A_8 = vector.broadcast %mul3A_7 : f32 to vector<8x2048xf32>
    %mul3A_9 = arith.mulf %mul3A_8, %cos3A : vector<8x2048xf32>
    %broadcast_in_dim3A = vector.shape_cast %mul3A_9 : vector<8x2048xf32> to vector<8x1x2048xf32>
    %cos3A_10 = math.cos %mul3A_3 : vector<8x2048xf32>
    %mul3A_11 = arith.constant 2.000000e+00 : f32
    %mul3A_12 = vector.broadcast %mul3A_11 : f32 to vector<8x2048xf32>
    %mul3A_13 = arith.mulf %mul3A_12, %cos3A_10 : vector<8x2048xf32>
    %get3A_14 = arith.constant 0 : index
    %get3A_15 = arith.constant 0 : index
    %get3A_16 = vector.load %arg3[%get3A_14, %get3A_15] : memref<8x2048xf32, #tpu.memory_space<vmem>>, vector<8x2048xf32>
    %sin3A = math.sin %get3A_16 : vector<8x2048xf32>
    %get3A_17 = arith.constant 0 : index
    %get3A_18 = arith.constant 0 : index
    %get3A_19 = vector.load %arg3[%get3A_17, %get3A_18] : memref<8x2048xf32, #tpu.memory_space<vmem>>, vector<8x2048xf32>
    %add3A = arith.addf %mul3A_3, %get3A_19 : vector<8x2048xf32>
    %sin3A_20 = math.sin %add3A : vector<8x2048xf32>
    %mul3A_21 = arith.mulf %mul3A_13, %sin3A_20 : vector<8x2048xf32>
    %sub3A = arith.subf %mul3A_21, %sin3A : vector<8x2048xf32>
    %mul3A_22 = arith.mulf %mul3A_13, %sub3A : vector<8x2048xf32>
    %sub3A_23 = arith.subf %mul3A_22, %sin3A_20 : vector<8x2048xf32>
    %mul3A_24 = arith.mulf %mul3A_13, %sub3A_23 : vector<8x2048xf32>
    %sub3A_25 = arith.subf %mul3A_24, %sub3A : vector<8x2048xf32>
    %mul3A_26 = arith.mulf %mul3A_13, %sub3A_25 : vector<8x2048xf32>
    %sub3A_27 = arith.subf %mul3A_26, %sub3A_23 : vector<8x2048xf32>
    %mul3A_28 = arith.mulf %mul3A_13, %sub3A_27 : vector<8x2048xf32>
    %sub3A_29 = arith.subf %mul3A_28, %sub3A_25 : vector<8x2048xf32>
    %mul3A_30 = arith.mulf %mul3A_13, %sub3A_29 : vector<8x2048xf32>
    %sub3A_31 = arith.subf %mul3A_30, %sub3A_27 : vector<8x2048xf32>
    %mul3A_32 = arith.mulf %mul3A_13, %sub3A_31 : vector<8x2048xf32>
    %sub3A_33 = arith.subf %mul3A_32, %sub3A_29 : vector<8x2048xf32>
    %mul3A_34 = arith.mulf %mul3A_13, %sub3A_33 : vector<8x2048xf32>
    %sub3A_35 = arith.subf %mul3A_34, %sub3A_31 : vector<8x2048xf32>
    %mul3A_36 = arith.mulf %mul3A_13, %sub3A_35 : vector<8x2048xf32>
    %sub3A_37 = arith.subf %mul3A_36, %sub3A_33 : vector<8x2048xf32>
    %mul3A_38 = arith.mulf %mul3A_13, %sub3A_37 : vector<8x2048xf32>
    %sub3A_39 = arith.subf %mul3A_38, %sub3A_35 : vector<8x2048xf32>
    %mul3A_40 = arith.mulf %mul3A_13, %sub3A_39 : vector<8x2048xf32>
    %sub3A_41 = arith.subf %mul3A_40, %sub3A_37 : vector<8x2048xf32>
    %mul3A_42 = arith.mulf %mul3A_13, %sub3A_41 : vector<8x2048xf32>
    %sub3A_43 = arith.subf %mul3A_42, %sub3A_39 : vector<8x2048xf32>
    %mul3A_44 = arith.mulf %mul3A_13, %sub3A_43 : vector<8x2048xf32>
    %sub3A_45 = arith.subf %mul3A_44, %sub3A_41 : vector<8x2048xf32>
    %mul3A_46 = arith.mulf %mul3A_13, %sub3A_45 : vector<8x2048xf32>
    %sub3A_47 = arith.subf %mul3A_46, %sub3A_43 : vector<8x2048xf32>
    %mul3A_48 = arith.mulf %mul3A_13, %sub3A_47 : vector<8x2048xf32>
    %sub3A_49 = arith.subf %mul3A_48, %sub3A_45 : vector<8x2048xf32>
    %mul3A_50 = arith.mulf %mul3A_13, %sub3A_49 : vector<8x2048xf32>
    %sub3A_51 = arith.subf %mul3A_50, %sub3A_47 : vector<8x2048xf32>
    %mul3A_52 = arith.mulf %mul3A_13, %sub3A_51 : vector<8x2048xf32>
    %sub3A_53 = arith.subf %mul3A_52, %sub3A_49 : vector<8x2048xf32>
    %mul3A_54 = arith.mulf %mul3A_13, %sub3A_53 : vector<8x2048xf32>
    %sub3A_55 = arith.subf %mul3A_54, %sub3A_51 : vector<8x2048xf32>
    %mul3A_56 = arith.mulf %mul3A_13, %sub3A_55 : vector<8x2048xf32>
    %sub3A_57 = arith.subf %mul3A_56, %sub3A_53 : vector<8x2048xf32>
    %mul3A_58 = arith.mulf %mul3A_13, %sub3A_57 : vector<8x2048xf32>
    %sub3A_59 = arith.subf %mul3A_58, %sub3A_55 : vector<8x2048xf32>
    %mul3A_60 = arith.mulf %mul3A_13, %sub3A_59 : vector<8x2048xf32>
    %sub3A_61 = arith.subf %mul3A_60, %sub3A_57 : vector<8x2048xf32>
    %mul3A_62 = arith.mulf %mul3A_13, %sub3A_61 : vector<8x2048xf32>
    %sub3A_63 = arith.subf %mul3A_62, %sub3A_59 : vector<8x2048xf32>
    %mul3A_64 = arith.mulf %mul3A_13, %sub3A_63 : vector<8x2048xf32>
    %sub3A_65 = arith.subf %mul3A_64, %sub3A_61 : vector<8x2048xf32>
    %mul3A_66 = arith.mulf %mul3A_13, %sub3A_65 : vector<8x2048xf32>
    %sub3A_67 = arith.subf %mul3A_66, %sub3A_63 : vector<8x2048xf32>
    %mul3A_68 = arith.mulf %mul3A_13, %sub3A_67 : vector<8x2048xf32>
    %sub3A_69 = arith.subf %mul3A_68, %sub3A_65 : vector<8x2048xf32>
    %mul3A_70 = arith.mulf %mul3A_13, %sub3A_69 : vector<8x2048xf32>
    %sub3A_71 = arith.subf %mul3A_70, %sub3A_67 : vector<8x2048xf32>
    %mul3A_72 = arith.mulf %mul3A_13, %sub3A_71 : vector<8x2048xf32>
    %sub3A_73 = arith.subf %mul3A_72, %sub3A_69 : vector<8x2048xf32>
    %mul3A_74 = arith.mulf %mul3A_13, %sub3A_73 : vector<8x2048xf32>
    %sub3A_75 = arith.subf %mul3A_74, %sub3A_71 : vector<8x2048xf32>
    %mul3A_76 = arith.mulf %mul3A_13, %sub3A_75 : vector<8x2048xf32>
    %sub3A_77 = arith.subf %mul3A_76, %sub3A_73 : vector<8x2048xf32>
    %mul3A_78 = arith.mulf %mul3A_13, %sub3A_77 : vector<8x2048xf32>
    %sub3A_79 = arith.subf %mul3A_78, %sub3A_75 : vector<8x2048xf32>
    %stack3A = vector.shape_cast %sin3A : vector<8x2048xf32> to vector<8x1x2048xf32>
    %stack3A_80 = vector.shape_cast %sin3A_20 : vector<8x2048xf32> to vector<8x1x2048xf32>
    %stack3A_81 = vector.shape_cast %sub3A : vector<8x2048xf32> to vector<8x1x2048xf32>
    %stack3A_82 = vector.shape_cast %sub3A_23 : vector<8x2048xf32> to vector<8x1x2048xf32>
    %stack3A_83 = vector.shape_cast %sub3A_25 : vector<8x2048xf32> to vector<8x1x2048xf32>
    %stack3A_84 = vector.shape_cast %sub3A_27 : vector<8x2048xf32> to vector<8x1x2048xf32>
    %stack3A_85 = vector.shape_cast %sub3A_29 : vector<8x2048xf32> to vector<8x1x2048xf32>
    %stack3A_86 = vector.shape_cast %sub3A_31 : vector<8x2048xf32> to vector<8x1x2048xf32>
    %stack3A_87 = vector.shape_cast %sub3A_33 : vector<8x2048xf32> to vector<8x1x2048xf32>
    %stack3A_88 = vector.shape_cast %sub3A_35 : vector<8x2048xf32> to vector<8x1x2048xf32>
    %stack3A_89 = vector.shape_cast %sub3A_37 : vector<8x2048xf32> to vector<8x1x2048xf32>
    %stack3A_90 = vector.shape_cast %sub3A_39 : vector<8x2048xf32> to vector<8x1x2048xf32>
    %stack3A_91 = vector.shape_cast %sub3A_41 : vector<8x2048xf32> to vector<8x1x2048xf32>
    %stack3A_92 = vector.shape_cast %sub3A_43 : vector<8x2048xf32> to vector<8x1x2048xf32>
    %stack3A_93 = vector.shape_cast %sub3A_45 : vector<8x2048xf32> to vector<8x1x2048xf32>
    %stack3A_94 = vector.shape_cast %sub3A_47 : vector<8x2048xf32> to vector<8x1x2048xf32>
    %stack3A_95 = tpu.concatenate %stack3A, %stack3A_80, %stack3A_81, %stack3A_82, %stack3A_83, %stack3A_84, %stack3A_85, %stack3A_86, %stack3A_87, %stack3A_88, %stack3A_89, %stack3A_90, %stack3A_91, %stack3A_92, %stack3A_93, %stack3A_94 in 1 : vector<8x1x2048xf32>, vector<8x1x2048xf32>, vector<8x1x2048xf32>, vector<8x1x2048xf32>, vector<8x1x2048xf32>, vector<8x1x2048xf32>, vector<8x1x2048xf32>, vector<8x1x2048xf32>, vector<8x1x2048xf32>, vector<8x1x2048xf32>, vector<8x1x2048xf32>, vector<8x1x2048xf32>, vector<8x1x2048xf32>, vector<8x1x2048xf32>, vector<8x1x2048xf32>, vector<8x1x2048xf32> -> vector<8x16x2048xf32>
    %stack3A_96 = vector.shape_cast %sub3A_49 : vector<8x2048xf32> to vector<8x1x2048xf32>
    %stack3A_97 = vector.shape_cast %sub3A_51 : vector<8x2048xf32> to vector<8x1x2048xf32>
    %stack3A_98 = vector.shape_cast %sub3A_53 : vector<8x2048xf32> to vector<8x1x2048xf32>
    %stack3A_99 = vector.shape_cast %sub3A_55 : vector<8x2048xf32> to vector<8x1x2048xf32>
    %stack3A_100 = vector.shape_cast %sub3A_57 : vector<8x2048xf32> to vector<8x1x2048xf32>
    %stack3A_101 = vector.shape_cast %sub3A_59 : vector<8x2048xf32> to vector<8x1x2048xf32>
    %stack3A_102 = vector.shape_cast %sub3A_61 : vector<8x2048xf32> to vector<8x1x2048xf32>
    %stack3A_103 = vector.shape_cast %sub3A_63 : vector<8x2048xf32> to vector<8x1x2048xf32>
    %stack3A_104 = vector.shape_cast %sub3A_65 : vector<8x2048xf32> to vector<8x1x2048xf32>
    %stack3A_105 = vector.shape_cast %sub3A_67 : vector<8x2048xf32> to vector<8x1x2048xf32>
    %stack3A_106 = vector.shape_cast %sub3A_69 : vector<8x2048xf32> to vector<8x1x2048xf32>
    %stack3A_107 = vector.shape_cast %sub3A_71 : vector<8x2048xf32> to vector<8x1x2048xf32>
    %stack3A_108 = vector.shape_cast %sub3A_73 : vector<8x2048xf32> to vector<8x1x2048xf32>
    %stack3A_109 = vector.shape_cast %sub3A_75 : vector<8x2048xf32> to vector<8x1x2048xf32>
    %stack3A_110 = vector.shape_cast %sub3A_77 : vector<8x2048xf32> to vector<8x1x2048xf32>
    %stack3A_111 = vector.shape_cast %sub3A_79 : vector<8x2048xf32> to vector<8x1x2048xf32>
    %stack3A_112 = tpu.concatenate %stack3A_96, %stack3A_97, %stack3A_98, %stack3A_99, %stack3A_100, %stack3A_101, %stack3A_102, %stack3A_103, %stack3A_104, %stack3A_105, %stack3A_106, %stack3A_107, %stack3A_108, %stack3A_109, %stack3A_110, %stack3A_111 in 1 : vector<8x1x2048xf32>, vector<8x1x2048xf32>, vector<8x1x2048xf32>, vector<8x1x2048xf32>, vector<8x1x2048xf32>, vector<8x1x2048xf32>, vector<8x1x2048xf32>, vector<8x1x2048xf32>, vector<8x1x2048xf32>, vector<8x1x2048xf32>, vector<8x1x2048xf32>, vector<8x1x2048xf32>, vector<8x1x2048xf32>, vector<8x1x2048xf32>, vector<8x1x2048xf32>, vector<8x1x2048xf32> -> vector<8x16x2048xf32>
    %convert_element_type3A = arith.truncf %stack3A_95 : vector<8x16x2048xf32> to vector<8x16x2048xbf16>
    %reshape3A = vector.shape_cast %convert_element_type3A : vector<8x16x2048xbf16> to vector<1x128x2048xbf16>
    %swap3A = arith.constant 0 : index
    %swap3A_113 = arith.constant 0 : index
    %swap3A_114 = arith.constant 0 : index
    %swap3A_115 = vector.load %arg7[%swap3A, %swap3A_113, %swap3A_114] : memref<49x128x2048xbf16, #tpu.memory_space<vmem>>, vector<1x128x2048xbf16>
    tpu.vector_store %arg7[%swap3A, %swap3A_113, %swap3A_114], %reshape3A {strides = array<i32>} : memref<49x128x2048xbf16, #tpu.memory_space<vmem>>, vector<1x128x2048xbf16>,
    %convert_element_type3A_116 = arith.truncf %stack3A_112 : vector<8x16x2048xf32> to vector<8x16x2048xbf16>
    %reshape3A_117 = vector.shape_cast %convert_element_type3A_116 : vector<8x16x2048xbf16> to vector<1x128x2048xbf16>
    %swap3A_118 = arith.constant 1 : index
    %swap3A_119 = arith.constant 0 : index
    %swap3A_120 = arith.constant 0 : index
    %swap3A_121 = vector.load %arg7[%swap3A_118, %swap3A_119, %swap3A_120] : memref<49x128x2048xbf16, #tpu.memory_space<vmem>>, vector<1x128x2048xbf16>
    tpu.vector_store %arg7[%swap3A_118, %swap3A_119, %swap3A_120], %reshape3A_117 {strides = array<i32>} : memref<49x128x2048xbf16, #tpu.memory_space<vmem>>, vector<1x128x2048xbf16>,
    %scan3A = arith.constant 2 : i32
    %scan3A_122 = arith.constant 47 : i32
    %scan3A_123 = arith.addi %scan3A, %scan3A_122 : i32
    %scan3A_124 = arith.constant 1 : i32
    %scan3A_125:2 = scf.for %scan3A_301 = %scan3A to %scan3A_123 step %scan3A_124 iter_args(%scan3A_302 = %stack3A_95, %scan3A_303 = %stack3A_112) -> (vector<8x16x2048xf32>, vector<8x16x2048xf32>)  : i32 {
      %mul3A_304 = vector.broadcast %broadcast_in_dim3A : vector<8x1x2048xf32> to vector<8x16x2048xf32>
      %mul3A_305 = arith.mulf %mul3A_304, %scan3A_303 : vector<8x16x2048xf32>
      %sub3A_306 = arith.subf %mul3A_305, %scan3A_302 : vector<8x16x2048xf32>
      %convert_element_type3A_307 = arith.truncf %sub3A_306 : vector<8x16x2048xf32> to vector<8x16x2048xbf16>
      %reshape3A_308 = vector.shape_cast %convert_element_type3A_307 : vector<8x16x2048xbf16> to vector<1x128x2048xbf16>
      %swap3A_309 = arith.index_cast %scan3A_301 : i32 to index
      %swap3A_310 = arith.constant 0 : index
      %swap3A_311 = arith.constant 0 : index
      %swap3A_312 = vector.load %arg7[%swap3A_309, %swap3A_310, %swap3A_311] : memref<49x128x2048xbf16, #tpu.memory_space<vmem>>, vector<1x128x2048xbf16>
      tpu.vector_store %arg7[%swap3A_309, %swap3A_310, %swap3A_311], %reshape3A_308 {strides = array<i32>} : memref<49x128x2048xbf16, #tpu.memory_space<vmem>>, vector<1x128x2048xbf16>,
      scf.yield %scan3A_303, %sub3A_306 : vector<8x16x2048xf32>, vector<8x16x2048xf32>
    }
    %scan3A_126 = arith.constant 47 : i32
    %iota3A = tpu.iota {dimensions = array<i32: 1>} : vector<1x1024xi32>
    %broadcast_in_dim3A_127 = arith.constant 1.000000e+00 : bf16
    %broadcast_in_dim3A_128 = vector.broadcast %broadcast_in_dim3A_127 : bf16 to vector<1x2048xbf16>
    %get3A_129 = arith.constant 0 : index
    %get3A_130 = arith.constant 0 : index
    %get3A_131 = vector.load %arg0[%get3A_129, %get3A_130] : memref<2048x4xi32, #tpu.memory_space<vmem>>, vector<2048x1xi32>
    %eq3A = vector.broadcast %get3A_131 : vector<2048x1xi32> to vector<2048x1024xi32>
    %eq3A_132 = vector.broadcast %iota3A : vector<1x1024xi32> to vector<2048x1024xi32>
    %eq3A_133 = arith.cmpi eq, %eq3A, %eq3A_132 : vector<2048x1024xi32>
    %convert_element_type3A_134 = arith.extui %eq3A_133 : vector<2048x1024xi1> to vector<2048x1024xi32>
    %convert_element_type3A_135 = arith.sitofp %convert_element_type3A_134 : vector<2048x1024xi32> to vector<2048x1024xf32>
    %convert_element_type3A_136 = arith.truncf %convert_element_type3A_135 : vector<2048x1024xf32> to vector<2048x1024xbf16>
    %dot_general3A = arith.constant dense<0.000000e+00> : vector<1x1024xf32>
    %dot_general3A_137 = tpu.matmul %broadcast_in_dim3A_128, %convert_element_type3A_136, %dot_general3A {dimension_numbers = #tpu.dot_dimension_numbers<[1], [0], [0], [1], [0, 0, 1, 1], [], []>, transpose_lhs_hint = false} : vector<1x2048xbf16>, vector<2048x1024xbf16>, vector<1x1024xf32> -> vector<1x1024xf32>
    %get3A_138 = arith.constant 0 : index
    %get3A_139 = arith.constant 1 : index
    %get3A_140 = vector.load %arg0[%get3A_138, %get3A_139] : memref<2048x4xi32, #tpu.memory_space<vmem>>, vector<2048x1xi32>
    %eq3A_141 = vector.broadcast %get3A_140 : vector<2048x1xi32> to vector<2048x1024xi32>
    %eq3A_142 = vector.broadcast %iota3A : vector<1x1024xi32> to vector<2048x1024xi32>
    %eq3A_143 = arith.cmpi eq, %eq3A_141, %eq3A_142 : vector<2048x1024xi32>
    %convert_element_type3A_144 = arith.extui %eq3A_143 : vector<2048x1024xi1> to vector<2048x1024xi32>
    %convert_element_type3A_145 = arith.sitofp %convert_element_type3A_144 : vector<2048x1024xi32> to vector<2048x1024xf32>
    %convert_element_type3A_146 = arith.truncf %convert_element_type3A_145 : vector<2048x1024xf32> to vector<2048x1024xbf16>
    %dot_general3A_147 = arith.constant dense<0.000000e+00> : vector<1x1024xf32>
    %dot_general3A_148 = tpu.matmul %broadcast_in_dim3A_128, %convert_element_type3A_146, %dot_general3A_147 {dimension_numbers = #tpu.dot_dimension_numbers<[1], [0], [0], [1], [0, 0, 1, 1], [], []>, transpose_lhs_hint = false} : vector<1x2048xbf16>, vector<2048x1024xbf16>, vector<1x1024xf32> -> vector<1x1024xf32>
    %get3A_149 = arith.constant 0 : index
    %get3A_150 = arith.constant 2 : index
    %get3A_151 = vector.load %arg0[%get3A_149, %get3A_150] : memref<2048x4xi32, #tpu.memory_space<vmem>>, vector<2048x1xi32>
    %eq3A_152 = vector.broadcast %get3A_151 : vector<2048x1xi32> to vector<2048x1024xi32>
    %eq3A_153 = vector.broadcast %iota3A : vector<1x1024xi32> to vector<2048x1024xi32>
    %eq3A_154 = arith.cmpi eq, %eq3A_152, %eq3A_153 : vector<2048x1024xi32>
    %convert_element_type3A_155 = arith.extui %eq3A_154 : vector<2048x1024xi1> to vector<2048x1024xi32>
    %convert_element_type3A_156 = arith.sitofp %convert_element_type3A_155 : vector<2048x1024xi32> to vector<2048x1024xf32>
    %convert_element_type3A_157 = arith.truncf %convert_element_type3A_156 : vector<2048x1024xf32> to vector<2048x1024xbf16>
    %dot_general3A_158 = arith.constant dense<0.000000e+00> : vector<1x1024xf32>
    %dot_general3A_159 = tpu.matmul %broadcast_in_dim3A_128, %convert_element_type3A_157, %dot_general3A_158 {dimension_numbers = #tpu.dot_dimension_numbers<[1], [0], [0], [1], [0, 0, 1, 1], [], []>, transpose_lhs_hint = false} : vector<1x2048xbf16>, vector<2048x1024xbf16>, vector<1x1024xf32> -> vector<1x1024xf32>
    %get3A_160 = arith.constant 0 : index
    %get3A_161 = arith.constant 3 : index
    %get3A_162 = vector.load %arg0[%get3A_160, %get3A_161] : memref<2048x4xi32, #tpu.memory_space<vmem>>, vector<2048x1xi32>
    %eq3A_163 = vector.broadcast %get3A_162 : vector<2048x1xi32> to vector<2048x1024xi32>
    %eq3A_164 = vector.broadcast %iota3A : vector<1x1024xi32> to vector<2048x1024xi32>
    %eq3A_165 = arith.cmpi eq, %eq3A_163, %eq3A_164 : vector<2048x1024xi32>
    %convert_element_type3A_166 = arith.extui %eq3A_165 : vector<2048x1024xi1> to vector<2048x1024xi32>
    %convert_element_type3A_167 = arith.sitofp %convert_element_type3A_166 : vector<2048x1024xi32> to vector<2048x1024xf32>
    %convert_element_type3A_168 = arith.truncf %convert_element_type3A_167 : vector<2048x1024xf32> to vector<2048x1024xbf16>
    %dot_general3A_169 = arith.constant dense<0.000000e+00> : vector<1x1024xf32>
    %dot_general3A_170 = tpu.matmul %broadcast_in_dim3A_128, %convert_element_type3A_168, %dot_general3A_169 {dimension_numbers = #tpu.dot_dimension_numbers<[1], [0], [0], [1], [0, 0, 1, 1], [], []>, transpose_lhs_hint = false} : vector<1x2048xbf16>, vector<2048x1024xbf16>, vector<1x1024xf32> -> vector<1x1024xf32>
    %concatenate3A = tpu.concatenate %dot_general3A_137, %dot_general3A_148, %dot_general3A_159, %dot_general3A_170 in 0 : vector<1x1024xf32>, vector<1x1024xf32>, vector<1x1024xf32>, vector<1x1024xf32> -> vector<4x1024xf32>
    %slice3A = vector.extract_strided_slice %concatenate3A {offsets = [0, 0], sizes = [4, 784], strides = [1, 1]} : vector<4x1024xf32> to vector<4x784xf32>
    %broadcast_in_dim3A_171 = arith.constant 0.000000e+00 : f32
    %broadcast_in_dim3A_172 = vector.broadcast %broadcast_in_dim3A_171 : f32 to vector<4x2048xf32>
    %get3A_173 = arith.constant 0 : index
    %get3A_174 = arith.constant 0 : index
    %get3A_175 = vector.load %arg1[%get3A_173, %get3A_174] : memref<8x784xf32, #tpu.memory_space<vmem>>, vector<1x784xf32>
    %mul3A_176 = vector.broadcast %get3A_175 : vector<1x784xf32> to vector<4x784xf32>
    %mul3A_177 = arith.mulf %slice3A, %mul3A_176 : vector<4x784xf32>
    %convert_element_type3A_178 = arith.truncf %mul3A_177 : vector<4x784xf32> to vector<4x784xbf16>
    %get3A_179 = arith.constant 0 : index
    %get3A_180 = arith.constant 0 : index
    %get3A_181 = arith.constant 0 : index
    %get3A_182 = vector.load %arg7[%get3A_179, %get3A_180, %get3A_181] : memref<49x128x2048xbf16, #tpu.memory_space<vmem>>, vector<49x16x2048xbf16>
    %reshape3A_183 = vector.shape_cast %get3A_182 : vector<49x16x2048xbf16> to vector<784x2048xbf16>
    %dot_general3A_184 = arith.constant dense<0.000000e+00> : vector<4x2048xf32>
    %dot_general3A_185 = tpu.matmul %convert_element_type3A_178, %reshape3A_183, %dot_general3A_184 {dimension_numbers = #tpu.dot_dimension_numbers<[1], [0], [0], [1], [0, 0, 1, 1], [], []>, transpose_lhs_hint = false} : vector<4x784xbf16>, vector<784x2048xbf16>, vector<4x2048xf32> -> vector<4x2048xf32>
    %add3A_186 = arith.addf %broadcast_in_dim3A_172, %dot_general3A_185 : vector<4x2048xf32>
    %get3A_187 = arith.constant 1 : index
    %get3A_188 = arith.constant 0 : index
    %get3A_189 = vector.load %arg1[%get3A_187, %get3A_188] : memref<8x784xf32, #tpu.memory_space<vmem>>, vector<1x784xf32>
    %mul3A_190 = vector.broadcast %get3A_189 : vector<1x784xf32> to vector<4x784xf32>
    %mul3A_191 = arith.mulf %slice3A, %mul3A_190 : vector<4x784xf32>
    %convert_element_type3A_192 = arith.truncf %mul3A_191 : vector<4x784xf32> to vector<4x784xbf16>
    %get3A_193 = arith.constant 0 : index
    %get3A_194 = arith.constant 16 : index
    %get3A_195 = arith.constant 0 : index
    %get3A_196 = vector.load %arg7[%get3A_193, %get3A_194, %get3A_195] : memref<49x128x2048xbf16, #tpu.memory_space<vmem>>, vector<49x16x2048xbf16>
    %reshape3A_197 = vector.shape_cast %get3A_196 : vector<49x16x2048xbf16> to vector<784x2048xbf16>
    %dot_general3A_198 = arith.constant dense<0.000000e+00> : vector<4x2048xf32>
    %dot_general3A_199 = tpu.matmul %convert_element_type3A_192, %reshape3A_197, %dot_general3A_198 {dimension_numbers = #tpu.dot_dimension_numbers<[1], [0], [0], [1], [0, 0, 1, 1], [], []>, transpose_lhs_hint = false} : vector<4x784xbf16>, vector<784x2048xbf16>, vector<4x2048xf32> -> vector<4x2048xf32>
    %add3A_200 = arith.addf %add3A_186, %dot_general3A_199 : vector<4x2048xf32>
    %get3A_201 = arith.constant 2 : index
    %get3A_202 = arith.constant 0 : index
    %get3A_203 = vector.load %arg1[%get3A_201, %get3A_202] : memref<8x784xf32, #tpu.memory_space<vmem>>, vector<1x784xf32>
    %mul3A_204 = vector.broadcast %get3A_203 : vector<1x784xf32> to vector<4x784xf32>
    %mul3A_205 = arith.mulf %slice3A, %mul3A_204 : vector<4x784xf32>
    %convert_element_type3A_206 = arith.truncf %mul3A_205 : vector<4x784xf32> to vector<4x784xbf16>
    %get3A_207 = arith.constant 0 : index
    %get3A_208 = arith.constant 32 : index
    %get3A_209 = arith.constant 0 : index
    %get3A_210 = vector.load %arg7[%get3A_207, %get3A_208, %get3A_209] : memref<49x128x2048xbf16, #tpu.memory_space<vmem>>, vector<49x16x2048xbf16>
    %reshape3A_211 = vector.shape_cast %get3A_210 : vector<49x16x2048xbf16> to vector<784x2048xbf16>
    %dot_general3A_212 = arith.constant dense<0.000000e+00> : vector<4x2048xf32>
    %dot_general3A_213 = tpu.matmul %convert_element_type3A_206, %reshape3A_211, %dot_general3A_212 {dimension_numbers = #tpu.dot_dimension_numbers<[1], [0], [0], [1], [0, 0, 1, 1], [], []>, transpose_lhs_hint = false} : vector<4x784xbf16>, vector<784x2048xbf16>, vector<4x2048xf32> -> vector<4x2048xf32>
    %add3A_214 = arith.addf %add3A_200, %dot_general3A_213 : vector<4x2048xf32>
    %get3A_215 = arith.constant 3 : index
    %get3A_216 = arith.constant 0 : index
    %get3A_217 = vector.load %arg1[%get3A_215, %get3A_216] : memref<8x784xf32, #tpu.memory_space<vmem>>, vector<1x784xf32>
    %mul3A_218 = vector.broadcast %get3A_217 : vector<1x784xf32> to vector<4x784xf32>
    %mul3A_219 = arith.mulf %slice3A, %mul3A_218 : vector<4x784xf32>
    %convert_element_type3A_220 = arith.truncf %mul3A_219 : vector<4x784xf32> to vector<4x784xbf16>
    %get3A_221 = arith.constant 0 : index
    %get3A_222 = arith.constant 48 : index
    %get3A_223 = arith.constant 0 : index
    %get3A_224 = vector.load %arg7[%get3A_221, %get3A_222, %get3A_223] : memref<49x128x2048xbf16, #tpu.memory_space<vmem>>, vector<49x16x2048xbf16>
    %reshape3A_225 = vector.shape_cast %get3A_224 : vector<49x16x2048xbf16> to vector<784x2048xbf16>
    %dot_general3A_226 = arith.constant dense<0.000000e+00> : vector<4x2048xf32>
    %dot_general3A_227 = tpu.matmul %convert_element_type3A_220, %reshape3A_225, %dot_general3A_226 {dimension_numbers = #tpu.dot_dimension_numbers<[1], [0], [0], [1], [0, 0, 1, 1], [], []>, transpose_lhs_hint = false} : vector<4x784xbf16>, vector<784x2048xbf16>, vector<4x2048xf32> -> vector<4x2048xf32>
    %add3A_228 = arith.addf %add3A_214, %dot_general3A_227 : vector<4x2048xf32>
    %get3A_229 = arith.constant 4 : index
    %get3A_230 = arith.constant 0 : index
    %get3A_231 = vector.load %arg1[%get3A_229, %get3A_230] : memref<8x784xf32, #tpu.memory_space<vmem>>, vector<1x784xf32>
    %mul3A_232 = vector.broadcast %get3A_231 : vector<1x784xf32> to vector<4x784xf32>
    %mul3A_233 = arith.mulf %slice3A, %mul3A_232 : vector<4x784xf32>
    %convert_element_type3A_234 = arith.truncf %mul3A_233 : vector<4x784xf32> to vector<4x784xbf16>
    %get3A_235 = arith.constant 0 : index
    %get3A_236 = arith.constant 64 : index
    %get3A_237 = arith.constant 0 : index
    %get3A_238 = vector.load %arg7[%get3A_235, %get3A_236, %get3A_237] : memref<49x128x2048xbf16, #tpu.memory_space<vmem>>, vector<49x16x2048xbf16>
    %reshape3A_239 = vector.shape_cast %get3A_238 : vector<49x16x2048xbf16> to vector<784x2048xbf16>
    %dot_general3A_240 = arith.constant dense<0.000000e+00> : vector<4x2048xf32>
    %dot_general3A_241 = tpu.matmul %convert_element_type3A_234, %reshape3A_239, %dot_general3A_240 {dimension_numbers = #tpu.dot_dimension_numbers<[1], [0], [0], [1], [0, 0, 1, 1], [], []>, transpose_lhs_hint = false} : vector<4x784xbf16>, vector<784x2048xbf16>, vector<4x2048xf32> -> vector<4x2048xf32>
    %add3A_242 = arith.addf %add3A_228, %dot_general3A_241 : vector<4x2048xf32>
    %get3A_243 = arith.constant 5 : index
    %get3A_244 = arith.constant 0 : index
    %get3A_245 = vector.load %arg1[%get3A_243, %get3A_244] : memref<8x784xf32, #tpu.memory_space<vmem>>, vector<1x784xf32>
    %mul3A_246 = vector.broadcast %get3A_245 : vector<1x784xf32> to vector<4x784xf32>
    %mul3A_247 = arith.mulf %slice3A, %mul3A_246 : vector<4x784xf32>
    %convert_element_type3A_248 = arith.truncf %mul3A_247 : vector<4x784xf32> to vector<4x784xbf16>
    %get3A_249 = arith.constant 0 : index
    %get3A_250 = arith.constant 80 : index
    %get3A_251 = arith.constant 0 : index
    %get3A_252 = vector.load %arg7[%get3A_249, %get3A_250, %get3A_251] : memref<49x128x2048xbf16, #tpu.memory_space<vmem>>, vector<49x16x2048xbf16>
    %reshape3A_253 = vector.shape_cast %get3A_252 : vector<49x16x2048xbf16> to vector<784x2048xbf16>
    %dot_general3A_254 = arith.constant dense<0.000000e+00> : vector<4x2048xf32>
    %dot_general3A_255 = tpu.matmul %convert_element_type3A_248, %reshape3A_253, %dot_general3A_254 {dimension_numbers = #tpu.dot_dimension_numbers<[1], [0], [0], [1], [0, 0, 1, 1], [], []>, transpose_lhs_hint = false} : vector<4x784xbf16>, vector<784x2048xbf16>, vector<4x2048xf32> -> vector<4x2048xf32>
    %add3A_256 = arith.addf %add3A_242, %dot_general3A_255 : vector<4x2048xf32>
    %get3A_257 = arith.constant 6 : index
    %get3A_258 = arith.constant 0 : index
    %get3A_259 = vector.load %arg1[%get3A_257, %get3A_258] : memref<8x784xf32, #tpu.memory_space<vmem>>, vector<1x784xf32>
    %mul3A_260 = vector.broadcast %get3A_259 : vector<1x784xf32> to vector<4x784xf32>
    %mul3A_261 = arith.mulf %slice3A, %mul3A_260 : vector<4x784xf32>
    %convert_element_type3A_262 = arith.truncf %mul3A_261 : vector<4x784xf32> to vector<4x784xbf16>
    %get3A_263 = arith.constant 0 : index
    %get3A_264 = arith.constant 96 : index
    %get3A_265 = arith.constant 0 : index
    %get3A_266 = vector.load %arg7[%get3A_263, %get3A_264, %get3A_265] : memref<49x128x2048xbf16, #tpu.memory_space<vmem>>, vector<49x16x2048xbf16>
    %reshape3A_267 = vector.shape_cast %get3A_266 : vector<49x16x2048xbf16> to vector<784x2048xbf16>
    %dot_general3A_268 = arith.constant dense<0.000000e+00> : vector<4x2048xf32>
    %dot_general3A_269 = tpu.matmul %convert_element_type3A_262, %reshape3A_267, %dot_general3A_268 {dimension_numbers = #tpu.dot_dimension_numbers<[1], [0], [0], [1], [0, 0, 1, 1], [], []>, transpose_lhs_hint = false} : vector<4x784xbf16>, vector<784x2048xbf16>, vector<4x2048xf32> -> vector<4x2048xf32>
    %add3A_270 = arith.addf %add3A_256, %dot_general3A_269 : vector<4x2048xf32>
    %get3A_271 = arith.constant 7 : index
    %get3A_272 = arith.constant 0 : index
    %get3A_273 = vector.load %arg1[%get3A_271, %get3A_272] : memref<8x784xf32, #tpu.memory_space<vmem>>, vector<1x784xf32>
    %mul3A_274 = vector.broadcast %get3A_273 : vector<1x784xf32> to vector<4x784xf32>
    %mul3A_275 = arith.mulf %slice3A, %mul3A_274 : vector<4x784xf32>
    %convert_element_type3A_276 = arith.truncf %mul3A_275 : vector<4x784xf32> to vector<4x784xbf16>
    %get3A_277 = arith.constant 0 : index
    %get3A_278 = arith.constant 112 : index
    %get3A_279 = arith.constant 0 : index
    %get3A_280 = vector.load %arg7[%get3A_277, %get3A_278, %get3A_279] : memref<49x128x2048xbf16, #tpu.memory_space<vmem>>, vector<49x16x2048xbf16>
    %reshape3A_281 = vector.shape_cast %get3A_280 : vector<49x16x2048xbf16> to vector<784x2048xbf16>
    %dot_general3A_282 = arith.constant dense<0.000000e+00> : vector<4x2048xf32>
    %dot_general3A_283 = tpu.matmul %convert_element_type3A_276, %reshape3A_281, %dot_general3A_282 {dimension_numbers = #tpu.dot_dimension_numbers<[1], [0], [0], [1], [0, 0, 1, 1], [], []>, transpose_lhs_hint = false} : vector<4x784xbf16>, vector<784x2048xbf16>, vector<4x2048xf32> -> vector<4x2048xf32>
    %add3A_284 = arith.addf %add3A_270, %dot_general3A_283 : vector<4x2048xf32>
    %mul3A_285 = arith.constant 4.8828125E-4 : f32
    %mul3A_286 = vector.broadcast %mul3A_285 : f32 to vector<4x2048xf32>
    %mul3A_287 = arith.mulf %add3A_284, %mul3A_286 : vector<4x2048xf32>
    %get3A_288 = arith.constant 0 : index
    %get3A_289 = arith.constant 0 : index
    %get3A_290 = vector.load %arg4[%get3A_288, %get3A_289] : memref<2048x128xf32, #tpu.memory_space<vmem>>, vector<2048x128xf32>
    %dot_general3A_291 = arith.constant dense<0.000000e+00> : vector<4x128xf32>
    %dot_general3A_292 = tpu.matmul %mul3A_287, %get3A_290, %dot_general3A_291 {dimension_numbers = #tpu.dot_dimension_numbers<[1], [0], [0], [1], [0, 0, 1, 1], [], []>, transpose_lhs_hint = false} : vector<4x2048xf32>, vector<2048x128xf32>, vector<4x128xf32> -> vector<4x128xf32>
    %get3A_293 = arith.constant 0 : index
    %get3A_294 = arith.constant 0 : index
    %get3A_295 = vector.load %arg5[%get3A_293, %get3A_294] : memref<1x128xf32, #tpu.memory_space<vmem>>, vector<1x128xf32>
    %add3A_296 = vector.broadcast %get3A_295 : vector<1x128xf32> to vector<4x128xf32>
    %add3A_297 = arith.addf %dot_general3A_292, %add3A_296 : vector<4x128xf32>
    %swap3A_298 = arith.constant 0 : index
    %swap3A_299 = arith.constant 0 : index
    %swap3A_300 = vector.load %arg6[%swap3A_298, %swap3A_299] : memref<4x128xf32, #tpu.memory_space<vmem>>, vector<4x128xf32>
    tpu.vector_store %arg6[%swap3A_298, %swap3A_299], %add3A_297 {strides = array<i32>} : memref<4x128xf32, #tpu.memory_space<vmem>>, vector<4x128xf32>,
    return
  }
}

</mosaic_0001>

<sc_bundles>
// kernel: kernel.5.cloned.1.call-start
scs
__scs_entry_jumppad:
0x0: {  	(pc) =	sbr.rel $0x88, $3  }
0x1: {  	(tag) =	ssettag $0x0;
	lr =	simm.s32 $0x1  }
0x2: {  	[smem:$0x3F98] =	sst lr;
	_ =	strace $0xD0000000  }
0x3: {  	_ = 	snop  }
0x4: {  	_ = 	snop  }
0x5: {  	_ = 	snop  }
0x6: {  	_ = 	snop  }
0x7: {  	_ = 	snop  }
__scs_overlays_trampoline_lowered:
0x8: {  	[smem:$0x3FA7] =	sst s0  }
0x9: {  	[smem:$0x3FA8] =	sst s1  }
0xa: {  	[smem:$0x3FA9] =	sst s2  }
0xb: {  	[smem:$0x3FAA] =	sst s3  }
0xc: {  	[smem:$0x3FAB] =	sst s4  }
0xd: {  	[smem:$0x3FAC] =	sst s5  }
0xe: {  	[smem:$0x3FAD] =	sst s6  }
0xf: {  	[smem:$0x3FAE] =	sst s7  }
0x10: {  	[smem:$0x3FAF] =	sst s8  }
0x11: {  	[smem:$0x3FB0] =	sst s9;
	s0 =	simm.s32 @!p0 $0x0  }
0x12: {  	s1 =	sld [smem:$0x3F96];
	s0 =	simm.s32 @p0 $0x1  }
0x13: {  	[smem:$0x3FB1] =	sst s0;
	s0 =	simm.s32 @!p1 $0x0  }
0x14: {  	s2 =	sld [smem:$0x3F95];
	s0 =	simm.s32 @p1 $0x1  }
0x15: {  	[smem:$0x3FB2] =	sst s0;
	s0 =	simm.s32 @!p2 $0x0  }
0x16: {  	s3 =	sld [smem:$0x3FDB];
	s0 =	simm.s32 @p2 $0x1  }
0x17: {  	s4 =	simm.s32 $0x1BF5;
	[smem:$0x3FB4] =	sst s0  }
0x18: {  	s0 =	sld [smem:$0x3F97];
	_ =	swait.ge [sflag:s4], $0x0  }
0x19: {  	s7 =	sld [smem:$0x3F98]  }
0x1a: {  	s8 =	sadd.s32 $0xFFFFE003, lr  }
0x1b: {  	s9 =	sadd.s32 $0xFFFFFEF7, lr;
	s5 =	simm.s32 $0xFFFFFFFF;
	p2 =	slt.u32 s8, $0xFFFFF086  }
0x1c: {  	p1 =	slt.u32 s9, $0xF7A;
	s5 =	simm.s32 @!p2 $0x0  }
0x1d: {  	s5 =	simm.s32 @p1 $0x1;
	p0 =	seq.s32 s7, s2  }
0x1e: {  	s7 =	smul.u32 @!p0 $0xF7A, s2;
	p2 =	seq.s32 @!p0 s5, $0x0  }
0x1f: {  	s9 =	smul.u32 $0xF7A, s1;
	s8 =	simm.s32 @!p0 $0x1BF5;
	p2 =	por !p2, p0  }
0x20: {  	[sflag:s8] =	ssyncset.s32 @!p0 $0xFFFFF086;
	s6 =	sadd.s32 @!p0 s3, s7;
	s7 =	simm.s32 @!p0 $0x108  }
0x21: {  	s3 =	sadd.s32 s3, s9;
	s6 =	sadd.s32 @!p0 $0x88, s6;
	s7 =	simm.s32 @p2 $0x1082  }
0x22: {  	[simem:s7], [sflag:s8] =	dma.local @!p0 [hbm:s6], $0xF7A  }
0x23: {  	s9 =	sor.u32 $0xD0000000, s2;
	s6 =	simm.s32 $0x108;
	_ =	swait.ge @!p0 [sflag:s8], $0x0  }
0x24: {  	s3 =	sadd.s32 $0x88, s3;
	s6 =	simm.s32 @!p1 $0x1082;
	[sflag:s4] =	ssyncset.s32 $0xFFFFF086  }
0x25: {  	[simem:s6], [sflag:s4] =	dma.local [hbm:s3], $0xF7A  }
0x26: {  	[smem:$0x3F98] =	sst s1;
	(tag) =	ssettag s2;
	_ =	strace s9  }
0x27: {  	s1 =	sld [smem:$0x3FA8]  }
0x28: {  	s2 =	sld [smem:$0x3FA9]  }
0x29: {  	s4 =	sld [smem:$0x3FAB]  }
0x2a: {  	p0 =	seq.s32 s5, $0x0;
	s5 =	sld [smem:$0x3FAC]  }
0x2b: {  	s6 =	sld [smem:$0x3FAD]  }
0x2c: {  	s7 =	sld [smem:$0x3FAE]  }
0x2d: {  	s3 =	simm.s32 $0x108;
	s8 =	sld [smem:$0x3FAF]  }
0x2e: {  	s3 =	simm.s32 @!p0 $0x1082;
	s9 =	sld [smem:$0x3FB0]  }
0x2f: {  	lr =	sadd.s32 s0, s3;
	s0 =	sld [smem:$0x3FA7]  }
0x30: {  	s3 =	sld [smem:$0x3FAA]  }
0x31: {  	[smem:$0x3FB3] =	sst s10  }
0x32: {  	s10 =	sld [smem:$0x3FB1];
	_ =	sdelay $0x3  }
0x33: {  	p0 =	seq.s32 s10, $0x1;
	s10 =	sld [smem:$0x3FB3];
	_ =	sdelay $0x3  }
0x34: {  	[smem:$0x3FB3] =	sst s10  }
0x35: {  	s10 =	sld [smem:$0x3FB2];
	_ =	sdelay $0x3  }
0x36: {  	p1 =	seq.s32 s10, $0x1;
	s10 =	sld [smem:$0x3FB3];
	_ =	sdelay $0x3  }
0x37: {  	[smem:$0x3FB3] =	sst s10  }
0x38: {  	s10 =	sld [smem:$0x3FB4]  }
0x39: {  	_ = 	snop;
	(pc) =	sbr.ind lr, $3  }
0x3a: {  	_ = 	snop  }
0x3b: {  	_ = 	snop  }
0x3c: {  	p2 =	seq.s32 s10, $0x1;
	s10 =	sld [smem:$0x3FB3]  }
0x3d: {  	_ =	shalt  }
0x3e: {  	_ =	shalt  }
0x3f: {  	_ =	shalt  }
0x40: {  	_ =	shalt  }
0x41: {  	_ =	shalt  }
0x42: {  	_ =	shalt  }
0x43: {  	_ =	shalt  }
0x44: {  	_ =	shalt  }
0x45: {  	_ =	shalt  }
0x46: {  	_ =	shalt  }
0x47: {  	_ =	shalt  }
0x48: {  	_ =	shalt  }
0x49: {  	_ =	shalt  }
0x4a: {  	_ =	shalt  }
0x4b: {  	_ =	shalt  }
0x4c: {  	_ =	shalt  }
0x4d: {  	_ =	shalt  }
0x4e: {  	_ =	shalt  }
0x4f: {  	_ =	shalt  }
0x50: {  	_ =	shalt  }
0x51: {  	_ =	shalt  }
0x52: {  	_ =	shalt  }
0x53: {  	_ =	shalt  }
0x54: {  	_ =	shalt  }
0x55: {  	_ =	shalt  }
0x56: {  	_ =	shalt  }
0x57: {  	_ =	shalt  }
0x58: {  	_ =	shalt  }
0x59: {  	_ =	shalt  }
0x5a: {  	_ =	shalt  }
0x5b: {  	_ =	shalt  }
0x5c: {  	_ =	shalt  }
0x5d: {  	_ =	shalt  }
0x5e: {  	_ =	shalt  }
0x5f: {  	_ =	shalt  }
0x60: {  	_ =	shalt  }
0x61: {  	_ =	shalt  }
0x62: {  	_ =	shalt  }
0x63: {  	_ =	shalt  }
0x64: {  	_ =	shalt  }
0x65: {  	_ =	shalt  }
0x66: {  	_ =	shalt  }
0x67: {  	_ =	shalt  }
0x68: {  	_ =	shalt  }
0x69: {  	_ =	shalt  }
0x6a: {  	_ =	shalt  }
0x6b: {  	_ =	shalt  }
0x6c: {  	_ =	shalt  }
0x6d: {  	_ =	shalt  }
0x6e: {  	_ =	shalt  }
0x6f: {  	_ =	shalt  }
0x70: {  	_ =	shalt  }
0x71: {  	_ =	shalt  }
0x72: {  	_ =	shalt  }
0x73: {  	_ =	shalt  }
0x74: {  	_ =	shalt  }
0x75: {  	_ =	shalt  }
0x76: {  	_ =	shalt  }
0x77: {  	_ =	shalt  }
0x78: {  	_ =	shalt  }
0x79: {  	_ =	shalt  }
0x7a: {  	_ =	shalt  }
0x7b: {  	_ =	shalt  }
0x7c: {  	_ =	shalt  }
0x7d: {  	_ =	shalt  }
0x7e: {  	_ =	shalt  }
0x7f: {  	_ =	shalt  }
0x80: {  	_ =	shalt  }
0x81: {  	_ =	shalt  }
0x82: {  	_ =	shalt  }
0x83: {  	_ =	shalt  }
0x84: {  	_ =	shalt  }
0x85: {  	_ =	shalt  }
0x86: {  	_ =	shalt  }
0x87: {  	_ =	shalt  }
.Lfunc_end0:
.L_simem_size_0:
called_computation_lowered:
.L_overlay_start_0:
0x88: {  	s2 =	sld [smem:$0x3FD9]  }
0x89: {  	s3 =	sld [smem:$0x3FFE];
	_ =	sdelay $0x1  }
0x8a: {  	s1 =	srdreg.scid  }
0x8b: {  	s0 =	sand.u32 $0x1, s1  }
0x8c: {  	s14 =	sshll.u32 s0, $0xA;
	s2 =	sadd.s32 s3, s2  }
0x8d: {  	s2 =	sadd.s32 s2, s14  }
0x8e: {  	[smem:$0x3FBF] =	sst s2  }
0x8f: {  	_ = 	snop  }
0x90: {  	s2 =	sld [smem:$0x3FD0];
	_ =	sdelay $0x2  }
0x91: {  	s15 =	simm.s32 $0xA;
	s4 =	simm.s32 $0x10  }
0x92: {  	[smem:s4], [sflag:s15] =	dma.local [hbm:s2], $0x1  }
0x93: {  	_ =	swait.eq [sflag:s15], $0x1  }
0x94: {  	[sflag:s15] =	ssyncset.done $0x0  }
0x95: {  	[sflag:s15] =	ssyncadd.s32 $0xFFFFFFFF  }
0x96: {  	s16 =	sld [smem:$0x12];
	(tm) =	ssettm $0x1  }
0x97: {  	s17 =	sld [smem:$0x3FFB];
	_ =	sdelay $0x3  }
0x98: {  	_ =	strace s17  }
0x99: {  	s3 =	sld [smem:$0x3FFC];
	_ =	sdelay $0x3  }
0x9a: {  	_ =	strace s3  }
0x9b: {  	s3 =	sld [smem:$0x3FFD];
	_ =	sdelay $0x3  }
0x9c: {  	_ =	strace s3  }
0x9d: {  	_ =	strace $0x8FFFFFFF  }
0x9e: {  	s18 =	sld [smem:$0x3FDB];
	_ =	sdelay $0x1  }
0x9f: {  	s19 =	simm.s32 $_scs_section_size  }
0xa0: {  	s5 =	simm.s32 $_size__tile_overlayer_lowered;
	s6 =	simm.s32 $_tile_overlayer_lowered  }
0xa1: {  	s22 =	simm.s32 $0x1BFF;
	s21 =	sshll.u32 s6, $0x1;
	s3 =	sadd.s32 s19, s18  }
0xa2: {  	s7 =	simm.s32 $0x0;
	s20 =	sshll.u32 s5, $0x1;
	s5 =	sadd.s32 s21, s3  }
0xa3: {  	[timem:s7], [sflag:s22] =	dma.local [hbm:s5], s20  }
0xa4: {  	_ =	swait.ge [sflag:s22], s20  }
0xa5: {  	s4 =	ssub.s32 $0x0, s20;
	[sflag:s22] =	ssyncset.done $0x0  }
0xa6: {  	[sflag:s22] =	ssyncadd.s32 s4;
	_ =	sdelay $0x1  }
0xa7: {  	s23 =	simm.s32 $0x1B8B  }
0xa8: {  	_ =	swait.ge [sflag:s23], $0x1  }
0xa9: {  	[sflag:s23] =	ssyncset.done $0x0  }
0xaa: {  	s25 =	simm.s32 $0x1B8E;
	s24 =	sld [smem:$0x3FFE];
	[sflag:s23] =	ssyncadd.s32 $0xFFFFFFFF  }
0xab: {  	s26 =	simm.s32 $execute0_lowered;
	[smem:$0x3FD2] =	sst s25  }
0xac: {  	s5 =	sshll.u32 s26, $0x1;
	_ =	strace $0x80000046;
	[dreg:$0x1] =	wrdreg $0xFFFFFFFF  }
0xad: {  	s28 =	simm.s32 $_size_execute0_lowered;
	s3 =	sadd.s32 s3, s5;
	[dreg:$0x0] =	wrdreg $0x0  }
0xae: {  	s5 =	sshll.u32 s28, $0x1;
	[dreg:$0x2] =	wrdreg s3  }
0xaf: {  	[dreg:$0x3] =	wrdreg s5  }
0xb0: {  	[dreg:$0x4] =	wrdreg $0xC0  }
0xb1: {  	_ =	task [dreg:s7], $0x5FFFF  }
0xb2: {  	[dreg:$0x1] =	wrdreg $0xFFFFFFFF  }
0xb3: {  	[dreg:$0x0] =	wrdreg $0x60  }
0xb4: {  	[dreg:$0x2] =	wrdreg s24  }
0xb5: {  	[dreg:$0x3] =	wrdreg s16  }
0xb6: {  	[dreg:$0x4] =	wrdreg $0x9  }
0xb7: {  	_ =	task.clear_ibuf [dreg:s7], $0x5FFFF;
	_ =	strace $0x90000046  }
0xb8: {  	s29 =	simm.s32 $0x9;
	_ =	strace $0x80000048  }
0xb9: {  	_ =	swait.ge [sflag:s29], $0x1  }
0xba: {  	[sflag:s29] =	ssyncadd.s32 $0xFFFFFFFF  }
0xbb: {  	_ =	strace $0x90000048  }
0xbc: {  	_ =	sfence  }
0xbd: {  	s30 =	sld [smem:$0x0];
	_ =	sdelay $0x2  }
0xbe: {  	s31 =	sshll.u32 s1, $0xD;
	s1 =	sshrl.u32 s1, $0x2  }
0xbf: {  	s3 =	sand.u32 $0x4000, s31;
	s1 =	sadd.s32 s1, s30  }
0xc0: {  	s0 =	sor.u32 s3, s0;
	s1 =	sshll.u32 s1, $0x11  }
0xc1: {  	s0 =	sor.u32 s1, s0  }
0xc2: {  	s0 =	sadd.s32 $0x8F2B, s0  }
0xc3: {  	[sflag:s0] =	ssyncadd.remote.s32 $0x1  }
0xc4: {  	_ =	sfence.sel $0xFFFF  }
0xc5: {  	[dreg:$0x0] =	wrdreg $0xFFFFFFFF;
	(pc) =	sbr.abs _section_cstart, $3  }
0xc6: {  	[dreg:$0x1] =	wrdreg $0xFFFFFFFF  }
0xc7: {  	_ =	task.clear_ibuf [dreg:s7], $0x2FFFF;
	_ =	strace $0x9FFFFFFF  }
0xc8: {  	(tm) =	ssettm $0x7FFFFFFF  }
0xc9: {  	_ =	shalt  }
tec
execute0_lowered:
.L_overlay_start_1:
0x0: {  	(tag) =	ssettag $0x1  }
0x1: {  	s10 =	rddreg [dreg:$0x0]  }
0x2: {  	s1 =	srdreg.scid;
	s0 =	stileid.u32  }
0x3: {  	s3 =	rddreg [dreg:$0x1];
	s11 =	sand.u32 $0x1, s1;
	s4 =	sshll.u32 s0, $0x1  }
0x4: {  	s2 =	simm.s32 $0x0;
	s1 =	rddreg [dreg:$0x2];
	s12 =	sor.u32 s11, s4  }
0x5: {  	[smem:$0x7FF] =	sst s2;
	s4 =	sshll.u32 s12, $0x5  }
0x6: {  	_ =	strace $0x80000047;
	s4 =	sadd.s32 s3, s4;
	s3 =	simm.s32 $0x2  }
0x7: {  	[tilespmem:s2], [sflag:$0x2] =	stream.linear.gather [hbm4b:s4+s2], $0x100, $0x38;
	[tilespmem:$0x8100] =	vst v63  }
0x8: {  	_ =	swait.ge [sflag:s3], $0x100  }
0x9: {  	s6 =	simm.s32 $0x80;
	[sflag:s3] =	ssyncset.done $0x0  }
0xa: {  	s7 =	simm.s32 $0x100;
	s5 =	sadd.s32 $0xE00, s10;
	[sflag:s3] =	ssyncadd.s32 $0xFFFFFF00  }
0xb: {  	[tilespmem:s7], [sflag:$0x1] =	stream.indirect.gather [hbm4b:s5+s6], $0x80, s2, s6, $0xb8;
	[tilespmem:$0x8100] =	vst v63  }
0xc: {  	s8 =	simm.s32 $0x4100;
	s9 =	simm.s32 $0x1;
	s11 =	ssub.s32 $0x2, s11  }
0xd: {  	[tilespmem:s8], [sflag:$0x1] =	stream.indirect.gather [hbm4b:s5+s6], $0x80, s6, s6, $0xb8;
	[tilespmem:$0x8100] =	vst v63  }
0xe: {  	s13 =	sshrl.u32 s11, $0x1;
	_ =	swait.ge [sflag:s9], $0x4000  }
0xf: {  	s11 =	ssub.s32 s11, s13;
	[sflag:s9] =	ssyncset.done $0x0  }
0x10: {  	s11 =	smax.u32 s11, $0x1;
	[sflag:s9] =	ssyncadd.s32 $0xFFFFC000  }
0x11: {  	s12 =	sshll.u32 s12, $0xC;
	p0 =	sne.s32 s11, $0x1;
	_ =	swait.ge [sflag:s9], $0x4000  }
.Ltmp0:
0x12: {  	s10 =	sadd.s32 s12, s10;
	[sflag:s9] =	ssyncset.done $0x0;
	(pc) =	sbr.rel @!p0 .LBB2_2-.Ltmp0, $4  }
0x13: {  	s10 =	sadd.s32 $0x4000, s10;
	[sflag:s9] =	ssyncadd.s32 $0xFFFFC000  }
0x14: {  	[hbm4b:s10+s2] =	stream.linear.scatter [tilespmem:s7], [sflag:$0x2], $0x8000, $0x38;
	[tilespmem:$0x8100] =	vst v63  }
0x15: {  	_ =	swait.ge [sflag:s3], $0x8000  }
0x16: {  	s11 =	sadd.s32 $0xFFFFFFFF, s11;
	[sflag:s3] =	ssyncset.done $0x0  }
.LBB2_1:
0x17: {  	p0 =	sne.s32 s11, $0x1;
	s11 =	sadd.s32 $0xFFFFFFFF, s11;
	[sflag:s3] =	ssyncadd.s32 $0xFFFF8000  }
0x18: {  	[tilespmem:s2], [sflag:$0x2] =	stream.linear.gather [hbm4b:s4+s2], $0x100, $0x38;
	[tilespmem:$0x8100] =	vst v63  }
0x19: {  	_ =	swait.ge [sflag:s3], $0x100  }
0x1a: {  	[sflag:s3] =	ssyncset.done $0x0  }
0x1b: {  	[sflag:s3] =	ssyncadd.s32 $0xFFFFFF00  }
0x1c: {  	[tilespmem:s7], [sflag:$0x1] =	stream.indirect.gather [hbm4b:s5+s6], $0x80, s2, s6, $0xb8;
	[tilespmem:$0x8100] =	vst v63  }
0x1d: {  	_ = 	snop  }
0x1e: {  	[tilespmem:s8], [sflag:$0x1] =	stream.indirect.gather [hbm4b:s5+s6], $0x80, s6, s6, $0xb8;
	[tilespmem:$0x8100] =	vst v63  }
0x1f: {  	_ =	swait.ge [sflag:s9], $0x4000  }
0x20: {  	[sflag:s9] =	ssyncset.done $0x0  }
0x21: {  	[sflag:s9] =	ssyncadd.s32 $0xFFFFC000  }
0x22: {  	_ =	swait.ge [sflag:s9], $0x4000  }
.Ltmp1:
0x23: {  	[sflag:s9] =	ssyncset.done $0x0;
	(pc) =	sbr.rel @p0 .LBB2_1-.Ltmp1, $4  }
0x24: {  	[sflag:s9] =	ssyncadd.s32 $0xFFFFC000  }
0x25: {  	[hbm4b:s10+s2] =	stream.linear.scatter [tilespmem:s7], [sflag:$0x2], $0x8000, $0x38;
	[tilespmem:$0x8100] =	vst v63  }
0x26: {  	_ =	swait.ge [sflag:s3], $0x8000  }
0x27: {  	[sflag:s3] =	ssyncset.done $0x0  }
.LBB2_2:
0x28: {  	[sflag:s3] =	ssyncadd.s32 $0xFFFF8000  }
0x29: {  	_ =	sfence.sel $0x180000  }
0x2a: {  	[bflag:$0x0] =	sbarrier.arrive $0xFFFF  }
0x2b: {  	p0 =	sne.s32 s0, $0x0;
	_ =	strace $0x90000047  }
0x2c: {  	s0 =	sadd.s32 @!p0 $0x100000, s1;
	[bflag:$0x2] =	sbarrier.arrive $0xFFFF  }
0x2d: {  	[sflag:s0] =	ssyncadd.tile.s32 @!p0 $0x1;
	_ =	shalt  }
.Lfunc_end2:
_tile_overlayer_lowered:
.L_overlay_start_2:
0x2e: {  	(tag) =	ssettag $0x2  }
0x2f: {  	s0 =	rddreg [dreg:$0x0];
	s2 =	stileid.u32  }
0x30: {  	s1 =	rddreg [dreg:$0x1];
	p0 =	sne.s32 s2, $0x0  }
0x31: {  	s3 =	rddreg [dreg:$0x2];
	[bflag:$0x3] =	sbarrier.arrive $0xFFFF;
	s2 =	simm.s32 @!p0 $0x1C02  }
0x32: {  	[timem:s3], [sflag:s2] =	dma.local @!p0 [hbm:s0], s1  }
0x33: {  	s0 =	simm.s32 @!p0 $0x2  }
0x34: {  	_ =	swait.ge @!p0 [sflag:s0], s1  }
0x35: {  	s1 =	ssub.s32 @!p0 $0x0, s1;
	[sflag:s0] =	ssyncset.done @!p0 $0x0  }
0x36: {  	[sflag:s0] =	ssyncadd.s32 @!p0 s1  }
0x37: {  	[bflag:$0x3] =	sbarrier.arrive $0xFFFF  }
0x38: {  	_ =	shalt  }

</sc_bundles>
